<compile_context>
chip_gen: v7x
topology: tpu7x:2x2x1
jax: 0.10.2.dev20260603
libtpu: 0.0.44.dev20260713+nightly
codegen_flags: <defaults>
</compile_context>

<pallas_src>
import functools

import jax
import jax.numpy as jnp
from jax import lax
from jax.experimental import pallas as pl
from jax.experimental.pallas import tpu as pltpu
from jax.experimental.pallas import tpu_sc as plsc


@functools.cache
def _make_gather(V: int, D: int, B: int):
    info = plsc.get_sparse_core_info()
    NC, NS = info.num_cores, info.num_subcores
    NW = NC * NS
    assert B % (8 * NW) == 0
    b_per_w = B // NW
    mesh = plsc.VectorSubcoreMesh(core_axis_name="c", subcore_axis_name="s")

    NCH = 4
    ROWS_MAIN = (-(-V // NS) + 7) // 8 * 8
    ROWS_LAST = V - ROWS_MAIN * (NS - 1)
    assert ROWS_LAST > 0
    assert b_per_w % NCH == 0
    rpc = b_per_w // NCH

    @functools.partial(
        pl.kernel,
        mesh=mesh,
        out_type=jax.ShapeDtypeStruct((B, D), jnp.float32),
        scratch_types=[
            pltpu.VMEM_SHARED((V, D), jnp.float32),
            pltpu.VMEM((b_per_w,), jnp.int32),
            pltpu.VMEM((rpc, D), jnp.float32),
            pltpu.VMEM((rpc if NCH >= 2 else 8, D), jnp.float32),
            pltpu.SemaphoreType.DMA,
            pltpu.SemaphoreType.DMA,
            pltpu.SemaphoreType.DMA,
            pltpu.SemaphoreType.DMA,
        ],
    )
    def gather_kernel(idx_hbm, table_hbm, out_hbm, table_sp, idx_v,
                      buf0, buf1, gsem0, gsem1, wsem0, wsem1):
        cid = lax.axis_index("c")
        sid = lax.axis_index("s")
        wid = sid * NC + cid
        base = wid * b_per_w
        bufs = (buf0, buf1)
        gsems = (gsem0, gsem1)
        wsems = (wsem0, wsem1)

        pltpu.sync_copy(idx_hbm.at[pl.ds(base, b_per_w)], idx_v)

        @pl.when(sid < NS - 1)
        def _stage_main():
            r0 = sid * ROWS_MAIN
            pltpu.sync_copy(table_hbm.at[pl.ds(r0, ROWS_MAIN)],
                            table_sp.at[pl.ds(r0, ROWS_MAIN)])

        @pl.when(sid == NS - 1)
        def _stage_last():
            r0 = (NS - 1) * ROWS_MAIN
            pltpu.sync_copy(table_hbm.at[pl.ds(r0, ROWS_LAST)],
                            table_sp.at[pl.ds(r0, ROWS_LAST)])

        plsc.subcore_barrier()

        g = [None] * NCH
        w = [None] * NCH
        for c in range(NCH):
            b = c % 2
            if c >= 2:
                w[c - 2].wait()
            g[c] = pltpu.async_copy(
                table_sp.at[idx_v.at[pl.ds(c * rpc, rpc)]], bufs[b], gsems[b])
            if c >= 1:
                g[c - 1].wait()
                w[c - 1] = pltpu.async_copy(
                    bufs[1 - b], out_hbm.at[pl.ds(base + (c - 1) * rpc, rpc)],
                    wsems[1 - b])
        g[NCH - 1].wait()
        w[NCH - 1] = pltpu.async_copy(
            bufs[(NCH - 1) % 2],
            out_hbm.at[pl.ds(base + (NCH - 1) * rpc, rpc)],
            wsems[(NCH - 1) % 2])
        if NCH >= 2:
            w[NCH - 2].wait()
        w[NCH - 1].wait()

    return gather_kernel


def kernel(timesteps, embed_table):
    idx = timesteps.astype(jnp.int32)
    fn = _make_gather(embed_table.shape[0], embed_table.shape[1], idx.shape[0])
    return fn(idx, embed_table)

# --- scband reference (transcript-rebuilt; emitter-appended) ---
"""Pipeline reference for scband-time-encoder-35287451304624 (READ-ONLY COPY).

The authoritative reference and input builder live on the scoring server;
editing this copy changes nothing except your own understanding.
"""

import jax, jax.numpy as jnp
import numpy as np

NUM_TIMESTEPS = 1000
TIME_DIM = 128
BATCH = 16384

def setup_inputs(seed: int = 0) -> dict:
    key = jax.random.key(seed)
    k1, k2 = jax.random.split(key)
    timesteps = jax.random.randint(k1, (BATCH,), 0, NUM_TIMESTEPS + 1, dtype=jnp.int64 if jax.config.jax_enable_x64 else jnp.int32)
    # nn.Embedding default init: N(0, 1)
    embed_table = jax.random.normal(k2, (NUM_TIMESTEPS + 1, TIME_DIM), dtype=jnp.float32)
    return {"timesteps": timesteps, "embed_table": embed_table}

def reference(timesteps, embed_table):
    # TimeEncoder.forward: embedding lookup
    return jnp.take(embed_table, timesteps, axis=0)

if __name__ == "__main__":
    import jax
    _d = setup_inputs()
    print(jax.jit(kernel)(*tuple(_d.values())))

</pallas_src>

<mosaic_0001>
#map = affine_map<(d0, d1) -> (0)>
#map1 = affine_map<(d0, d1) -> (0, 0)>
module attributes {stable_mosaic.version = 14 : i64} {
  func.func @gather_kernel(%arg0: i32, %arg1: i32, %arg2: memref<16384xi32, #tpu.memory_space<hbm>>, %arg3: memref<1001x128xf32, #tpu.memory_space<hbm>>, %arg4: memref<16384x128xf32, #tpu.memory_space<hbm>>, %arg5: memref<1001x128xf32, #tpu.memory_space<vmem_shared>>, %arg6: memref<512xi32, #tpu.memory_space<vmem>>, %arg7: memref<128x128xf32, #tpu.memory_space<vmem>>, %arg8: memref<128x128xf32, #tpu.memory_space<vmem>>, %arg9: memref<!tpu.dma_semaphore, #tpu.memory_space<semaphore_mem>>, %arg10: memref<!tpu.dma_semaphore, #tpu.memory_space<semaphore_mem>>, %arg11: memref<!tpu.dma_semaphore, #tpu.memory_space<semaphore_mem>>, %arg12: memref<!tpu.dma_semaphore, #tpu.memory_space<semaphore_mem>>) attributes {dimension_semantics = [#tpu.dimension_semantics<core_parallel>, #tpu.dimension_semantics<subcore_parallel>], iteration_bounds = array<i64: 2, 16>, scalar_prefetch = 0 : i64, scratch_operands = 8 : i64, tpu.core_type = #tpu.core_type<sc_vector_subcore>, window_params = [{transform_indices = #map}, {transform_indices = #map1}, {transform_indices = #map1}]} {
    %mul3A = arith.constant 2 : i32
    %mul3A_0 = arith.muli %arg1, %mul3A : i32
    %add3A = arith.addi %mul3A_0, %arg0 : i32
    %mul3A_1 = arith.constant 512 : i32
    %mul3A_2 = arith.muli %add3A, %mul3A_1 : i32
    "tpu.region"() ({
      %run_scoped3A = tpu.sem_alloc : memref<!tpu.dma_semaphore, #tpu.memory_space<semaphore_mem>>
      %dma_start3A_87 = tpu.memref_slice %arg2[%mul3A_2] : memref<16384xi32, #tpu.memory_space<hbm>> -> memref<512xi32, #tpu.memory_space<hbm>>
      %dma_start3A_88 = tpu.memref_slice %arg2[%mul3A_2] : memref<16384xi32, #tpu.memory_space<hbm>> -> memref<512xi32, #tpu.memory_space<hbm>>
      tpu.enqueue_dma source(%dma_start3A_88 : memref<512xi32, #tpu.memory_space<hbm>>) target(%arg6 : memref<512xi32, #tpu.memory_space<vmem>>) target_semaphore(%run_scoped3A : memref<!tpu.dma_semaphore, #tpu.memory_space<semaphore_mem>>)
      %dma_wait3A_89 = tpu.memref_slice %arg2[%mul3A_2] : memref<16384xi32, #tpu.memory_space<hbm>> -> memref<512xi32, #tpu.memory_space<hbm>>
      %dma_wait3A_90 = tpu.memref_slice %arg2[%mul3A_2] : memref<16384xi32, #tpu.memory_space<hbm>> -> memref<512xi32, #tpu.memory_space<hbm>>
      tpu.wait_dma2 semaphore(%run_scoped3A : memref<!tpu.dma_semaphore, #tpu.memory_space<semaphore_mem>>) src(%dma_wait3A_90 : memref<512xi32, #tpu.memory_space<hbm>>) dst(%arg6 : memref<512xi32, #tpu.memory_space<vmem>>)
      tpu.yield
    }) : () -> ()
    %lt3A = arith.constant 15 : i32
    %lt3A_3 = arith.cmpi slt, %arg1, %lt3A : i32
    %convert_element_type3A = arith.extui %lt3A_3 : i1 to i32
    %cond3A = arith.constant 0 : i32
    %cond3A_4 = arith.cmpi ne, %convert_element_type3A, %cond3A : i32
    scf.if %cond3A_4 {
      %mul3A_87 = arith.constant 64 : i32
      %mul3A_88 = arith.muli %arg1, %mul3A_87 : i32
      "tpu.region"() ({
        %run_scoped3A = tpu.sem_alloc : memref<!tpu.dma_semaphore, #tpu.memory_space<semaphore_mem>>
        %dma_start3A_89 = arith.constant 0 : i32
        %dma_start3A_90 = tpu.memref_slice %arg5[%mul3A_88, %dma_start3A_89] : memref<1001x128xf32, #tpu.memory_space<vmem_shared>> -> memref<64x128xf32, #tpu.memory_space<vmem_shared>>
        %dma_start3A_91 = arith.constant 0 : i32
        %dma_start3A_92 = tpu.memref_slice %arg3[%mul3A_88, %dma_start3A_91] : memref<1001x128xf32, #tpu.memory_space<hbm>> -> memref<64x128xf32, #tpu.memory_space<hbm>>
        tpu.enqueue_dma source(%dma_start3A_92 : memref<64x128xf32, #tpu.memory_space<hbm>>) target(%dma_start3A_90 : memref<64x128xf32, #tpu.memory_space<vmem_shared>>) target_semaphore(%run_scoped3A : memref<!tpu.dma_semaphore, #tpu.memory_space<semaphore_mem>>)
        %dma_wait3A_93 = arith.constant 0 : i32
        %dma_wait3A_94 = tpu.memref_slice %arg5[%mul3A_88, %dma_wait3A_93] : memref<1001x128xf32, #tpu.memory_space<vmem_shared>> -> memref<64x128xf32, #tpu.memory_space<vmem_shared>>
        %dma_wait3A_95 = arith.constant 0 : i32
        %dma_wait3A_96 = tpu.memref_slice %arg3[%mul3A_88, %dma_wait3A_95] : memref<1001x128xf32, #tpu.memory_space<hbm>> -> memref<64x128xf32, #tpu.memory_space<hbm>>
        tpu.wait_dma2 semaphore(%run_scoped3A : memref<!tpu.dma_semaphore, #tpu.memory_space<semaphore_mem>>) src(%dma_wait3A_96 : memref<64x128xf32, #tpu.memory_space<hbm>>) dst(%dma_wait3A_94 : memref<64x128xf32, #tpu.memory_space<vmem_shared>>)
        tpu.yield
      }) : () -> ()
    } else {
    }
    %eq3A = arith.constant 15 : i32
    %eq3A_5 = arith.cmpi eq, %arg1, %eq3A : i32
    %convert_element_type3A_6 = arith.extui %eq3A_5 : i1 to i32
    %cond3A_7 = arith.constant 0 : i32
    %cond3A_8 = arith.cmpi ne, %convert_element_type3A_6, %cond3A_7 : i32
    scf.if %cond3A_8 {
      "tpu.region"() ({
        %run_scoped3A = tpu.sem_alloc : memref<!tpu.dma_semaphore, #tpu.memory_space<semaphore_mem>>
        %dma_start3A_87 = arith.constant 960 : i32
        %dma_start3A_88 = arith.constant 0 : i32
        %dma_start3A_89 = tpu.memref_slice %arg5[%dma_start3A_87, %dma_start3A_88] : memref<1001x128xf32, #tpu.memory_space<vmem_shared>> -> memref<41x128xf32, #tpu.memory_space<vmem_shared>>
        %dma_start3A_90 = arith.constant 960 : i32
        %dma_start3A_91 = arith.constant 0 : i32
        %dma_start3A_92 = tpu.memref_slice %arg3[%dma_start3A_90, %dma_start3A_91] : memref<1001x128xf32, #tpu.memory_space<hbm>> -> memref<41x128xf32, #tpu.memory_space<hbm>>
        tpu.enqueue_dma source(%dma_start3A_92 : memref<41x128xf32, #tpu.memory_space<hbm>>) target(%dma_start3A_89 : memref<41x128xf32, #tpu.memory_space<vmem_shared>>) target_semaphore(%run_scoped3A : memref<!tpu.dma_semaphore, #tpu.memory_space<semaphore_mem>>)
        %dma_wait3A_93 = arith.constant 960 : i32
        %dma_wait3A_94 = arith.constant 0 : i32
        %dma_wait3A_95 = tpu.memref_slice %arg5[%dma_wait3A_93, %dma_wait3A_94] : memref<1001x128xf32, #tpu.memory_space<vmem_shared>> -> memref<41x128xf32, #tpu.memory_space<vmem_shared>>
        %dma_wait3A_96 = arith.constant 960 : i32
        %dma_wait3A_97 = arith.constant 0 : i32
        %dma_wait3A_98 = tpu.memref_slice %arg3[%dma_wait3A_96, %dma_wait3A_97] : memref<1001x128xf32, #tpu.memory_space<hbm>> -> memref<41x128xf32, #tpu.memory_space<hbm>>
        tpu.wait_dma2 semaphore(%run_scoped3A : memref<!tpu.dma_semaphore, #tpu.memory_space<semaphore_mem>>) src(%dma_wait3A_98 : memref<41x128xf32, #tpu.memory_space<hbm>>) dst(%dma_wait3A_95 : memref<41x128xf32, #tpu.memory_space<vmem_shared>>)
        tpu.yield
      }) : () -> ()
    } else {
    }
    %barrier3A = arith.constant 0 : index
    tpu.barrier barrier_id(%barrier3A)
    %dma_start3A = arith.constant 0 : i32
    %dma_start3A_9 = tpu.memref_slice %arg6[%dma_start3A] : memref<512xi32, #tpu.memory_space<vmem>> -> memref<128xi32, #tpu.memory_space<vmem>>
    %dma_start3A_10 = arith.constant 0 : i32
    %dma_start3A_11 = arith.constant 0 : i32
    %dma_start3A_12 = tpu.memref_slice %arg5[%dma_start3A_10, %dma_start3A_11] : memref<1001x128xf32, #tpu.memory_space<vmem_shared>> -> memref<1001x128xf32, #tpu.memory_space<vmem_shared>>
    tpu.enqueue_indirect_dma source(%dma_start3A_12 : memref<1001x128xf32, #tpu.memory_space<vmem_shared>>) target(%arg7 : memref<128x128xf32, #tpu.memory_space<vmem>>) offsets(%dma_start3A_9 : memref<128xi32, #tpu.memory_space<vmem>>) semaphore(%arg9 : memref<!tpu.dma_semaphore, #tpu.memory_space<semaphore_mem>>)
    %dma_start3A_13 = arith.constant 128 : i32
    %dma_start3A_14 = tpu.memref_slice %arg6[%dma_start3A_13] : memref<512xi32, #tpu.memory_space<vmem>> -> memref<128xi32, #tpu.memory_space<vmem>>
    %dma_start3A_15 = arith.constant 0 : i32
    %dma_start3A_16 = arith.constant 0 : i32
    %dma_start3A_17 = tpu.memref_slice %arg5[%dma_start3A_15, %dma_start3A_16] : memref<1001x128xf32, #tpu.memory_space<vmem_shared>> -> memref<1001x128xf32, #tpu.memory_space<vmem_shared>>
    tpu.enqueue_indirect_dma source(%dma_start3A_17 : memref<1001x128xf32, #tpu.memory_space<vmem_shared>>) target(%arg8 : memref<128x128xf32, #tpu.memory_space<vmem>>) offsets(%dma_start3A_14 : memref<128xi32, #tpu.memory_space<vmem>>) semaphore(%arg10 : memref<!tpu.dma_semaphore, #tpu.memory_space<semaphore_mem>>)
    %dma_wait3A = arith.constant 0 : i32
    %dma_wait3A_18 = tpu.memref_slice %arg6[%dma_wait3A] : memref<512xi32, #tpu.memory_space<vmem>> -> memref<128xi32, #tpu.memory_space<vmem>>
    %dma_wait3A_19 = arith.constant 0 : i32
    %dma_wait3A_20 = arith.constant 0 : i32
    %dma_wait3A_21 = tpu.memref_slice %arg5[%dma_wait3A_19, %dma_wait3A_20] : memref<1001x128xf32, #tpu.memory_space<vmem_shared>> -> memref<1001x128xf32, #tpu.memory_space<vmem_shared>>
    tpu.wait_indirect_dma semaphore(%arg9 : memref<!tpu.dma_semaphore, #tpu.memory_space<semaphore_mem>>) src(%dma_wait3A_21 : memref<1001x128xf32, #tpu.memory_space<vmem_shared>>) dst(%arg7 : memref<128x128xf32, #tpu.memory_space<vmem>>)
    %add3A_22 = arith.constant 0 : i32
    %add3A_23 = arith.addi %mul3A_2, %add3A_22 : i32
    %dma_start3A_24 = arith.constant 0 : i32
    %dma_start3A_25 = tpu.memref_slice %arg4[%add3A_23, %dma_start3A_24] : memref<16384x128xf32, #tpu.memory_space<hbm>> -> memref<128x128xf32, #tpu.memory_space<hbm>>
    %dma_start3A_26 = arith.constant 0 : i32
    %dma_start3A_27 = tpu.memref_slice %arg4[%add3A_23, %dma_start3A_26] : memref<16384x128xf32, #tpu.memory_space<hbm>> -> memref<128x128xf32, #tpu.memory_space<hbm>>
    tpu.enqueue_dma source(%arg7 : memref<128x128xf32, #tpu.memory_space<vmem>>) target(%dma_start3A_27 : memref<128x128xf32, #tpu.memory_space<hbm>>) target_semaphore(%arg11 : memref<!tpu.dma_semaphore, #tpu.memory_space<semaphore_mem>>)
    %dma_wait3A_28 = arith.constant 0 : i32
    %dma_wait3A_29 = tpu.memref_slice %arg4[%add3A_23, %dma_wait3A_28] : memref<16384x128xf32, #tpu.memory_space<hbm>> -> memref<128x128xf32, #tpu.memory_space<hbm>>
    %dma_wait3A_30 = arith.constant 0 : i32
    %dma_wait3A_31 = tpu.memref_slice %arg4[%add3A_23, %dma_wait3A_30] : memref<16384x128xf32, #tpu.memory_space<hbm>> -> memref<128x128xf32, #tpu.memory_space<hbm>>
    tpu.wait_dma2 semaphore(%arg11 : memref<!tpu.dma_semaphore, #tpu.memory_space<semaphore_mem>>) src(%arg7 : memref<128x128xf32, #tpu.memory_space<vmem>>) dst(%dma_wait3A_31 : memref<128x128xf32, #tpu.memory_space<hbm>>)
    %dma_start3A_32 = arith.constant 256 : i32
    %dma_start3A_33 = tpu.memref_slice %arg6[%dma_start3A_32] : memref<512xi32, #tpu.memory_space<vmem>> -> memref<128xi32, #tpu.memory_space<vmem>>
    %dma_start3A_34 = arith.constant 0 : i32
    %dma_start3A_35 = arith.constant 0 : i32
    %dma_start3A_36 = tpu.memref_slice %arg5[%dma_start3A_34, %dma_start3A_35] : memref<1001x128xf32, #tpu.memory_space<vmem_shared>> -> memref<1001x128xf32, #tpu.memory_space<vmem_shared>>
    tpu.enqueue_indirect_dma source(%dma_start3A_36 : memref<1001x128xf32, #tpu.memory_space<vmem_shared>>) target(%arg7 : memref<128x128xf32, #tpu.memory_space<vmem>>) offsets(%dma_start3A_33 : memref<128xi32, #tpu.memory_space<vmem>>) semaphore(%arg9 : memref<!tpu.dma_semaphore, #tpu.memory_space<semaphore_mem>>)
    %dma_wait3A_37 = arith.constant 128 : i32
    %dma_wait3A_38 = tpu.memref_slice %arg6[%dma_wait3A_37] : memref<512xi32, #tpu.memory_space<vmem>> -> memref<128xi32, #tpu.memory_space<vmem>>
    %dma_wait3A_39 = arith.constant 0 : i32
    %dma_wait3A_40 = arith.constant 0 : i32
    %dma_wait3A_41 = tpu.memref_slice %arg5[%dma_wait3A_39, %dma_wait3A_40] : memref<1001x128xf32, #tpu.memory_space<vmem_shared>> -> memref<1001x128xf32, #tpu.memory_space<vmem_shared>>
    tpu.wait_indirect_dma semaphore(%arg10 : memref<!tpu.dma_semaphore, #tpu.memory_space<semaphore_mem>>) src(%dma_wait3A_41 : memref<1001x128xf32, #tpu.memory_space<vmem_shared>>) dst(%arg8 : memref<128x128xf32, #tpu.memory_space<vmem>>)
    %add3A_42 = arith.constant 128 : i32
    %add3A_43 = arith.addi %mul3A_2, %add3A_42 : i32
    %dma_start3A_44 = arith.constant 0 : i32
    %dma_start3A_45 = tpu.memref_slice %arg4[%add3A_43, %dma_start3A_44] : memref<16384x128xf32, #tpu.memory_space<hbm>> -> memref<128x128xf32, #tpu.memory_space<hbm>>
    %dma_start3A_46 = arith.constant 0 : i32
    %dma_start3A_47 = tpu.memref_slice %arg4[%add3A_43, %dma_start3A_46] : memref<16384x128xf32, #tpu.memory_space<hbm>> -> memref<128x128xf32, #tpu.memory_space<hbm>>
    tpu.enqueue_dma source(%arg8 : memref<128x128xf32, #tpu.memory_space<vmem>>) target(%dma_start3A_47 : memref<128x128xf32, #tpu.memory_space<hbm>>) target_semaphore(%arg12 : memref<!tpu.dma_semaphore, #tpu.memory_space<semaphore_mem>>)
    %dma_wait3A_48 = arith.constant 0 : i32
    %dma_wait3A_49 = tpu.memref_slice %arg4[%add3A_43, %dma_wait3A_48] : memref<16384x128xf32, #tpu.memory_space<hbm>> -> memref<128x128xf32, #tpu.memory_space<hbm>>
    %dma_wait3A_50 = arith.constant 0 : i32
    %dma_wait3A_51 = tpu.memref_slice %arg4[%add3A_43, %dma_wait3A_50] : memref<16384x128xf32, #tpu.memory_space<hbm>> -> memref<128x128xf32, #tpu.memory_space<hbm>>
    tpu.wait_dma2 semaphore(%arg12 : memref<!tpu.dma_semaphore, #tpu.memory_space<semaphore_mem>>) src(%arg8 : memref<128x128xf32, #tpu.memory_space<vmem>>) dst(%dma_wait3A_51 : memref<128x128xf32, #tpu.memory_space<hbm>>)
    %dma_start3A_52 = arith.constant 384 : i32
    %dma_start3A_53 = tpu.memref_slice %arg6[%dma_start3A_52] : memref<512xi32, #tpu.memory_space<vmem>> -> memref<128xi32, #tpu.memory_space<vmem>>
    %dma_start3A_54 = arith.constant 0 : i32
    %dma_start3A_55 = arith.constant 0 : i32
    %dma_start3A_56 = tpu.memref_slice %arg5[%dma_start3A_54, %dma_start3A_55] : memref<1001x128xf32, #tpu.memory_space<vmem_shared>> -> memref<1001x128xf32, #tpu.memory_space<vmem_shared>>
    tpu.enqueue_indirect_dma source(%dma_start3A_56 : memref<1001x128xf32, #tpu.memory_space<vmem_shared>>) target(%arg8 : memref<128x128xf32, #tpu.memory_space<vmem>>) offsets(%dma_start3A_53 : memref<128xi32, #tpu.memory_space<vmem>>) semaphore(%arg10 : memref<!tpu.dma_semaphore, #tpu.memory_space<semaphore_mem>>)
    %dma_wait3A_57 = arith.constant 256 : i32
    %dma_wait3A_58 = tpu.memref_slice %arg6[%dma_wait3A_57] : memref<512xi32, #tpu.memory_space<vmem>> -> memref<128xi32, #tpu.memory_space<vmem>>
    %dma_wait3A_59 = arith.constant 0 : i32
    %dma_wait3A_60 = arith.constant 0 : i32
    %dma_wait3A_61 = tpu.memref_slice %arg5[%dma_wait3A_59, %dma_wait3A_60] : memref<1001x128xf32, #tpu.memory_space<vmem_shared>> -> memref<1001x128xf32, #tpu.memory_space<vmem_shared>>
    tpu.wait_indirect_dma semaphore(%arg9 : memref<!tpu.dma_semaphore, #tpu.memory_space<semaphore_mem>>) src(%dma_wait3A_61 : memref<1001x128xf32, #tpu.memory_space<vmem_shared>>) dst(%arg7 : memref<128x128xf32, #tpu.memory_space<vmem>>)
    %add3A_62 = arith.constant 256 : i32
    %add3A_63 = arith.addi %mul3A_2, %add3A_62 : i32
    %dma_start3A_64 = arith.constant 0 : i32
    %dma_start3A_65 = tpu.memref_slice %arg4[%add3A_63, %dma_start3A_64] : memref<16384x128xf32, #tpu.memory_space<hbm>> -> memref<128x128xf32, #tpu.memory_space<hbm>>
    %dma_start3A_66 = arith.constant 0 : i32
    %dma_start3A_67 = tpu.memref_slice %arg4[%add3A_63, %dma_start3A_66] : memref<16384x128xf32, #tpu.memory_space<hbm>> -> memref<128x128xf32, #tpu.memory_space<hbm>>
    tpu.enqueue_dma source(%arg7 : memref<128x128xf32, #tpu.memory_space<vmem>>) target(%dma_start3A_67 : memref<128x128xf32, #tpu.memory_space<hbm>>) target_semaphore(%arg11 : memref<!tpu.dma_semaphore, #tpu.memory_space<semaphore_mem>>)
    %dma_wait3A_68 = arith.constant 384 : i32
    %dma_wait3A_69 = tpu.memref_slice %arg6[%dma_wait3A_68] : memref<512xi32, #tpu.memory_space<vmem>> -> memref<128xi32, #tpu.memory_space<vmem>>
    %dma_wait3A_70 = arith.constant 0 : i32
    %dma_wait3A_71 = arith.constant 0 : i32
    %dma_wait3A_72 = tpu.memref_slice %arg5[%dma_wait3A_70, %dma_wait3A_71] : memref<1001x128xf32, #tpu.memory_space<vmem_shared>> -> memref<1001x128xf32, #tpu.memory_space<vmem_shared>>
    tpu.wait_indirect_dma semaphore(%arg10 : memref<!tpu.dma_semaphore, #tpu.memory_space<semaphore_mem>>) src(%dma_wait3A_72 : memref<1001x128xf32, #tpu.memory_space<vmem_shared>>) dst(%arg8 : memref<128x128xf32, #tpu.memory_space<vmem>>)
    %add3A_73 = arith.constant 384 : i32
    %add3A_74 = arith.addi %mul3A_2, %add3A_73 : i32
    %dma_start3A_75 = arith.constant 0 : i32
    %dma_start3A_76 = tpu.memref_slice %arg4[%add3A_74, %dma_start3A_75] : memref<16384x128xf32, #tpu.memory_space<hbm>> -> memref<128x128xf32, #tpu.memory_space<hbm>>
    %dma_start3A_77 = arith.constant 0 : i32
    %dma_start3A_78 = tpu.memref_slice %arg4[%add3A_74, %dma_start3A_77] : memref<16384x128xf32, #tpu.memory_space<hbm>> -> memref<128x128xf32, #tpu.memory_space<hbm>>
    tpu.enqueue_dma source(%arg8 : memref<128x128xf32, #tpu.memory_space<vmem>>) target(%dma_start3A_78 : memref<128x128xf32, #tpu.memory_space<hbm>>) target_semaphore(%arg12 : memref<!tpu.dma_semaphore, #tpu.memory_space<semaphore_mem>>)
    %dma_wait3A_79 = arith.constant 0 : i32
    %dma_wait3A_80 = tpu.memref_slice %arg4[%add3A_63, %dma_wait3A_79] : memref<16384x128xf32, #tpu.memory_space<hbm>> -> memref<128x128xf32, #tpu.memory_space<hbm>>
    %dma_wait3A_81 = arith.constant 0 : i32
    %dma_wait3A_82 = tpu.memref_slice %arg4[%add3A_63, %dma_wait3A_81] : memref<16384x128xf32, #tpu.memory_space<hbm>> -> memref<128x128xf32, #tpu.memory_space<hbm>>
    tpu.wait_dma2 semaphore(%arg11 : memref<!tpu.dma_semaphore, #tpu.memory_space<semaphore_mem>>) src(%arg7 : memref<128x128xf32, #tpu.memory_space<vmem>>) dst(%dma_wait3A_82 : memref<128x128xf32, #tpu.memory_space<hbm>>)
    %dma_wait3A_83 = arith.constant 0 : i32
    %dma_wait3A_84 = tpu.memref_slice %arg4[%add3A_74, %dma_wait3A_83] : memref<16384x128xf32, #tpu.memory_space<hbm>> -> memref<128x128xf32, #tpu.memory_space<hbm>>
    %dma_wait3A_85 = arith.constant 0 : i32
    %dma_wait3A_86 = tpu.memref_slice %arg4[%add3A_74, %dma_wait3A_85] : memref<16384x128xf32, #tpu.memory_space<hbm>> -> memref<128x128xf32, #tpu.memory_space<hbm>>
    tpu.wait_dma2 semaphore(%arg12 : memref<!tpu.dma_semaphore, #tpu.memory_space<semaphore_mem>>) src(%arg8 : memref<128x128xf32, #tpu.memory_space<vmem>>) dst(%dma_wait3A_86 : memref<128x128xf32, #tpu.memory_space<hbm>>)
    return
  }
}

</mosaic_0001>

<sc_bundles>
// kernel: kernel.3.cloned.1.call-start
scs
__scs_entry_jumppad:
0x0: {  	(pc) =	sbr.rel $0x88, $3  }
0x1: {  	(tag) =	ssettag $0x0;
	lr =	simm.s32 $0x1  }
0x2: {  	[smem:$0x3F9F] =	sst lr;
	_ =	strace $0xD0000000  }
0x3: {  	_ = 	snop  }
0x4: {  	_ = 	snop  }
0x5: {  	_ = 	snop  }
0x6: {  	_ = 	snop  }
0x7: {  	_ = 	snop  }
__scs_overlays_trampoline_lowered:
0x8: {  	[smem:$0x3FAE] =	sst s0  }
0x9: {  	[smem:$0x3FAF] =	sst s1  }
0xa: {  	[smem:$0x3FB0] =	sst s2  }
0xb: {  	[smem:$0x3FB1] =	sst s3  }
0xc: {  	[smem:$0x3FB2] =	sst s4  }
0xd: {  	[smem:$0x3FB3] =	sst s5  }
0xe: {  	[smem:$0x3FB4] =	sst s6  }
0xf: {  	[smem:$0x3FB5] =	sst s7  }
0x10: {  	[smem:$0x3FB6] =	sst s8  }
0x11: {  	[smem:$0x3FB7] =	sst s9;
	s0 =	simm.s32 @!p0 $0x0  }
0x12: {  	s1 =	sld [smem:$0x3F9D];
	s0 =	simm.s32 @p0 $0x1  }
0x13: {  	[smem:$0x3FB8] =	sst s0;
	s0 =	simm.s32 @!p1 $0x0  }
0x14: {  	s2 =	sld [smem:$0x3F9C];
	s0 =	simm.s32 @p1 $0x1  }
0x15: {  	[smem:$0x3FB9] =	sst s0;
	s0 =	simm.s32 @!p2 $0x0  }
0x16: {  	s3 =	sld [smem:$0x3FDB];
	s0 =	simm.s32 @p2 $0x1  }
0x17: {  	s4 =	simm.s32 $0x1BF5;
	[smem:$0x3FBB] =	sst s0  }
0x18: {  	s0 =	sld [smem:$0x3F9E];
	_ =	swait.ge [sflag:s4], $0x0  }
0x19: {  	s7 =	sld [smem:$0x3F9F]  }
0x1a: {  	s8 =	sadd.s32 $0xFFFFE003, lr  }
0x1b: {  	s9 =	sadd.s32 $0xFFFFFEF7, lr;
	s5 =	simm.s32 $0xFFFFFFFF;
	p2 =	slt.u32 s8, $0xFFFFF086  }
0x1c: {  	p1 =	slt.u32 s9, $0xF7A;
	s5 =	simm.s32 @!p2 $0x0  }
0x1d: {  	s5 =	simm.s32 @p1 $0x1;
	p0 =	seq.s32 s7, s2  }
0x1e: {  	s7 =	smul.u32 @!p0 $0xF7A, s2;
	p2 =	seq.s32 @!p0 s5, $0x0  }
0x1f: {  	s9 =	smul.u32 $0xF7A, s1;
	s8 =	simm.s32 @!p0 $0x1BF5;
	p2 =	por !p2, p0  }
0x20: {  	[sflag:s8] =	ssyncset.s32 @!p0 $0xFFFFF086;
	s6 =	sadd.s32 @!p0 s3, s7;
	s7 =	simm.s32 @!p0 $0x108  }
0x21: {  	s3 =	sadd.s32 s3, s9;
	s6 =	sadd.s32 @!p0 $0x88, s6;
	s7 =	simm.s32 @p2 $0x1082  }
0x22: {  	[simem:s7], [sflag:s8] =	dma.local @!p0 [hbm:s6], $0xF7A  }
0x23: {  	s9 =	sor.u32 $0xD0000000, s2;
	s6 =	simm.s32 $0x108;
	_ =	swait.ge @!p0 [sflag:s8], $0x0  }
0x24: {  	s3 =	sadd.s32 $0x88, s3;
	s6 =	simm.s32 @!p1 $0x1082;
	[sflag:s4] =	ssyncset.s32 $0xFFFFF086  }
0x25: {  	[simem:s6], [sflag:s4] =	dma.local [hbm:s3], $0xF7A  }
0x26: {  	[smem:$0x3F9F] =	sst s1;
	(tag) =	ssettag s2;
	_ =	strace s9  }
0x27: {  	s1 =	sld [smem:$0x3FAF]  }
0x28: {  	s2 =	sld [smem:$0x3FB0]  }
0x29: {  	s4 =	sld [smem:$0x3FB2]  }
0x2a: {  	p0 =	seq.s32 s5, $0x0;
	s5 =	sld [smem:$0x3FB3]  }
0x2b: {  	s6 =	sld [smem:$0x3FB4]  }
0x2c: {  	s7 =	sld [smem:$0x3FB5]  }
0x2d: {  	s3 =	simm.s32 $0x108;
	s8 =	sld [smem:$0x3FB6]  }
0x2e: {  	s3 =	simm.s32 @!p0 $0x1082;
	s9 =	sld [smem:$0x3FB7]  }
0x2f: {  	lr =	sadd.s32 s0, s3;
	s0 =	sld [smem:$0x3FAE]  }
0x30: {  	s3 =	sld [smem:$0x3FB1]  }
0x31: {  	[smem:$0x3FBA] =	sst s10  }
0x32: {  	s10 =	sld [smem:$0x3FB8];
	_ =	sdelay $0x3  }
0x33: {  	p0 =	seq.s32 s10, $0x1;
	s10 =	sld [smem:$0x3FBA];
	_ =	sdelay $0x3  }
0x34: {  	[smem:$0x3FBA] =	sst s10  }
0x35: {  	s10 =	sld [smem:$0x3FB9];
	_ =	sdelay $0x3  }
0x36: {  	p1 =	seq.s32 s10, $0x1;
	s10 =	sld [smem:$0x3FBA];
	_ =	sdelay $0x3  }
0x37: {  	[smem:$0x3FBA] =	sst s10  }
0x38: {  	s10 =	sld [smem:$0x3FBB]  }
0x39: {  	_ = 	snop;
	(pc) =	sbr.ind lr, $3  }
0x3a: {  	_ = 	snop  }
0x3b: {  	_ = 	snop  }
0x3c: {  	p2 =	seq.s32 s10, $0x1;
	s10 =	sld [smem:$0x3FBA]  }
0x3d: {  	_ =	shalt  }
0x3e: {  	_ =	shalt  }
0x3f: {  	_ =	shalt  }
0x40: {  	_ =	shalt  }
0x41: {  	_ =	shalt  }
0x42: {  	_ =	shalt  }
0x43: {  	_ =	shalt  }
0x44: {  	_ =	shalt  }
0x45: {  	_ =	shalt  }
0x46: {  	_ =	shalt  }
0x47: {  	_ =	shalt  }
0x48: {  	_ =	shalt  }
0x49: {  	_ =	shalt  }
0x4a: {  	_ =	shalt  }
0x4b: {  	_ =	shalt  }
0x4c: {  	_ =	shalt  }
0x4d: {  	_ =	shalt  }
0x4e: {  	_ =	shalt  }
0x4f: {  	_ =	shalt  }
0x50: {  	_ =	shalt  }
0x51: {  	_ =	shalt  }
0x52: {  	_ =	shalt  }
0x53: {  	_ =	shalt  }
0x54: {  	_ =	shalt  }
0x55: {  	_ =	shalt  }
0x56: {  	_ =	shalt  }
0x57: {  	_ =	shalt  }
0x58: {  	_ =	shalt  }
0x59: {  	_ =	shalt  }
0x5a: {  	_ =	shalt  }
0x5b: {  	_ =	shalt  }
0x5c: {  	_ =	shalt  }
0x5d: {  	_ =	shalt  }
0x5e: {  	_ =	shalt  }
0x5f: {  	_ =	shalt  }
0x60: {  	_ =	shalt  }
0x61: {  	_ =	shalt  }
0x62: {  	_ =	shalt  }
0x63: {  	_ =	shalt  }
0x64: {  	_ =	shalt  }
0x65: {  	_ =	shalt  }
0x66: {  	_ =	shalt  }
0x67: {  	_ =	shalt  }
0x68: {  	_ =	shalt  }
0x69: {  	_ =	shalt  }
0x6a: {  	_ =	shalt  }
0x6b: {  	_ =	shalt  }
0x6c: {  	_ =	shalt  }
0x6d: {  	_ =	shalt  }
0x6e: {  	_ =	shalt  }
0x6f: {  	_ =	shalt  }
0x70: {  	_ =	shalt  }
0x71: {  	_ =	shalt  }
0x72: {  	_ =	shalt  }
0x73: {  	_ =	shalt  }
0x74: {  	_ =	shalt  }
0x75: {  	_ =	shalt  }
0x76: {  	_ =	shalt  }
0x77: {  	_ =	shalt  }
0x78: {  	_ =	shalt  }
0x79: {  	_ =	shalt  }
0x7a: {  	_ =	shalt  }
0x7b: {  	_ =	shalt  }
0x7c: {  	_ =	shalt  }
0x7d: {  	_ =	shalt  }
0x7e: {  	_ =	shalt  }
0x7f: {  	_ =	shalt  }
0x80: {  	_ =	shalt  }
0x81: {  	_ =	shalt  }
0x82: {  	_ =	shalt  }
0x83: {  	_ =	shalt  }
0x84: {  	_ =	shalt  }
0x85: {  	_ =	shalt  }
0x86: {  	_ =	shalt  }
0x87: {  	_ =	shalt  }
.Lfunc_end0:
.L_simem_size_0:
called_computation_lowered:
.L_overlay_start_0:
0x88: {  	s2 =	sld [smem:$0x3FD9]  }
0x89: {  	s3 =	sld [smem:$0x3FFE];
	_ =	sdelay $0x1  }
0x8a: {  	s1 =	srdreg.scid  }
0x8b: {  	s0 =	sand.u32 $0x1, s1  }
0x8c: {  	s18 =	sshll.u32 s0, $0xA;
	s2 =	sadd.s32 s3, s2  }
0x8d: {  	s2 =	sadd.s32 s2, s18  }
0x8e: {  	[smem:$0x3FC6] =	sst s2  }
0x8f: {  	_ = 	snop  }
0x90: {  	s2 =	sld [smem:$0x3FC9]  }
0x91: {  	s19 =	sld [smem:$0x3FC8]  }
0x92: {  	s4 =	sld [smem:$0x3FD0];
	(tm) =	ssettm $0x1  }
0x93: {  	s5 =	sld [smem:$0x3FFB];
	_ =	sdelay $0x3  }
0x94: {  	_ =	strace s5  }
0x95: {  	s5 =	sld [smem:$0x3FFC];
	_ =	sdelay $0x3  }
0x96: {  	_ =	strace s5  }
0x97: {  	s5 =	sld [smem:$0x3FFD];
	_ =	sdelay $0x3  }
0x98: {  	_ =	strace s5  }
0x99: {  	_ =	strace $0x8FFFFFFF  }
0x9a: {  	s20 =	sld [smem:$0x3FDB];
	_ =	sdelay $0x1  }
0x9b: {  	s6 =	simm.s32 $_scs_section_size  }
0x9c: {  	s7 =	simm.s32 $_size__tile_overlayer_lowered;
	s8 =	simm.s32 $_tile_overlayer_lowered  }
0x9d: {  	s23 =	simm.s32 $0x1BFF;
	s22 =	sshll.u32 s8, $0x1;
	s5 =	sadd.s32 s6, s20  }
0x9e: {  	s9 =	simm.s32 $0x0;
	s21 =	sshll.u32 s7, $0x1;
	s7 =	sadd.s32 s22, s5  }
0x9f: {  	[timem:s9], [sflag:s23] =	dma.local [hbm:s7], s21  }
0xa0: {  	_ =	swait.ge [sflag:s23], s21  }
0xa1: {  	s6 =	ssub.s32 $0x0, s21;
	[sflag:s23] =	ssyncset.done $0x0  }
0xa2: {  	[sflag:s23] =	ssyncadd.s32 s6;
	_ =	sdelay $0x1  }
0xa3: {  	s24 =	simm.s32 $0x1B8B  }
0xa4: {  	_ =	swait.ge [sflag:s24], $0x1  }
0xa5: {  	[sflag:s24] =	ssyncset.done $0x0  }
0xa6: {  	s25 =	simm.s32 $0x1B8E;
	[sflag:s24] =	ssyncadd.s32 $0xFFFFFFFF  }
0xa7: {  	s26 =	simm.s32 $execute0_lowered;
	[smem:$0x3FD2] =	sst s25  }
0xa8: {  	s6 =	sshll.u32 s26, $0x1;
	_ =	strace $0x80000046;
	[dreg:$0x1] =	wrdreg $0xFFFFFFFF  }
0xa9: {  	s28 =	simm.s32 $_size_execute0_lowered;
	s5 =	sadd.s32 s5, s6;
	[dreg:$0x0] =	wrdreg $0x0  }
0xaa: {  	s6 =	sshll.u32 s28, $0x1;
	[dreg:$0x2] =	wrdreg s5  }
0xab: {  	[dreg:$0x3] =	wrdreg s6  }
0xac: {  	[dreg:$0x4] =	wrdreg $0xC0  }
0xad: {  	_ =	task [dreg:s9], $0x5FFFF  }
0xae: {  	[dreg:$0x1] =	wrdreg $0xFFFFFFFF  }
0xaf: {  	[dreg:$0x0] =	wrdreg $0x60  }
0xb0: {  	[dreg:$0x2] =	wrdreg s2  }
0xb1: {  	[dreg:$0x3] =	wrdreg s19  }
0xb2: {  	[dreg:$0x4] =	wrdreg s4  }
0xb3: {  	[dreg:$0x5] =	wrdreg $0x0  }
0xb4: {  	[dreg:$0x6] =	wrdreg $0x9  }
0xb5: {  	_ =	task.clear_ibuf [dreg:s9], $0x7FFFF;
	_ =	strace $0x90000046  }
0xb6: {  	s29 =	simm.s32 $0x9;
	_ =	strace $0x80000048  }
0xb7: {  	_ =	swait.ge [sflag:s29], $0x1  }
0xb8: {  	[sflag:s29] =	ssyncadd.s32 $0xFFFFFFFF  }
0xb9: {  	_ =	strace $0x90000048  }
0xba: {  	_ =	sfence  }
0xbb: {  	s30 =	sld [smem:$0x0];
	_ =	sdelay $0x2  }
0xbc: {  	s31 =	sshll.u32 s1, $0xD;
	s1 =	sshrl.u32 s1, $0x2  }
0xbd: {  	s3 =	sand.u32 $0x4000, s31;
	s1 =	sadd.s32 s1, s30  }
0xbe: {  	s0 =	sor.u32 s3, s0;
	s1 =	sshll.u32 s1, $0x11  }
0xbf: {  	s0 =	sor.u32 s1, s0  }
0xc0: {  	s0 =	sadd.s32 $0x8F2B, s0  }
0xc1: {  	[sflag:s0] =	ssyncadd.remote.s32 $0x1  }
0xc2: {  	_ =	sfence.sel $0xFFFF  }
0xc3: {  	[dreg:$0x0] =	wrdreg $0xFFFFFFFF;
	(pc) =	sbr.abs _section_cstart, $3  }
0xc4: {  	[dreg:$0x1] =	wrdreg $0xFFFFFFFF  }
0xc5: {  	_ =	task.clear_ibuf [dreg:s9], $0x2FFFF;
	_ =	strace $0x9FFFFFFF  }
0xc6: {  	(tm) =	ssettm $0x7FFFFFFF  }
0xc7: {  	_ =	shalt  }
tec
execute0_lowered:
.L_overlay_start_1:
0x0: {  	(tag) =	ssettag $0x1  }
0x1: {  	s4 =	rddreg [dreg:$0x0]  }
0x2: {  	s11 =	rddreg [dreg:$0x1]  }
0x3: {  	s1 =	srdreg.scid;
	s20 =	rddreg [dreg:$0x2]  }
0x4: {  	s0 =	stileid.u32;
	s2 =	rddreg [dreg:$0x3];
	s29 =	sand.u32 $0x1, s1  }
0x5: {  	s3 =	simm.s32 $0x0;
	s12 =	sshll.u32 s0, $0xA;
	s5 =	sshll.u32 s29, $0x9  }
0x6: {  	s6 =	simm.s32 $0x5;
	s1 =	rddreg [dreg:$0x4];
	s21 =	sor.u32 s5, s12  }
0x7: {  	[smem:$0x7FF] =	sst s3;
	s13 =	sshll.u32 s0, $0xD;
	s5 =	sshrl.u32 s21, $0x3  }
0x8: {  	_ =	strace $0x80000047;
	s4 =	sadd.s32 s4, s5;
	s5 =	simm.s32 $0x1F48  }
0x9: {  	[tilespmem:s5], [sflag:$0x5] =	stream.linear.gather [hbm4b:s4+s3], $0x200, $0x38;
	[tilespmem:$0xA148] =	vst v63  }
0xa: {  	s8 =	sadd.s32 $0x1E000, s2;
	p0 =	seq.s32 s0, $0xF;
	_ =	swait.ge [sflag:s6], $0x200  }
0xb: {  	s7 =	sadd.s32 $0x3C00, s11;
	s8 =	sshrl.u32 @p0 s8, $0x3;
	[sflag:s6] =	ssyncset.done $0x0  }
0xc: {  	s9 =	simm.s32 @p0 $0x1FC5;
	s10 =	simm.s32 @p0 $0x5;
	[sflag:s6] =	ssyncadd.s32 $0xFFFFFE00  }
0xd: {  	[spmem:s8], [sflag:s9] =	dma.local @p0 [hbm:s7], $0x290  }
0xe: {  	s13 =	sadd.s32 s13, s2;
	s14 =	sshll.u32 @!p0 s0, $0x6;
	_ =	swait.ge @p0 [sflag:s10], $0x290  }
0xf: {  	s11 =	sadd.s32 s11, s12;
	s12 =	sor.u32 @!p0 $0x1C05, s14;
	[sflag:s10] =	ssyncset.done @p0 $0x0  }
0x10: {  	s13 =	sshrl.u32 @!p0 s13, $0x3;
	s14 =	simm.s32 @!p0 $0x5;
	[sflag:s10] =	ssyncadd.s32 @p0 $0xFFFFFD70  }
0x11: {  	[spmem:s13], [sflag:s12] =	dma.local @!p0 [hbm:s11], $0x400  }
0x12: {  	_ =	swait.ge @!p0 [sflag:s14], $0x400  }
0x13: {  	[sflag:s14] =	ssyncset.done @!p0 $0x0  }
0x14: {  	[sflag:s14] =	ssyncadd.s32 @!p0 $0xFFFFFC00  }
0x15: {  	s15 =	simm.s32 $0x80;
	s16 =	simm.s32 $0x2148;
	[bflag:$0x0] =	sbarrier.arrive $0xFFFF  }
0x16: {  	[tilespmem:s16], [sflag:$0x1] =	stream.indirect.gather [spmem:s2], $0x80, s5, s15, $0xb8;
	[tilespmem:$0xA148] =	vst v63  }
0x17: {  	s17 =	simm.s32 $0x1FC8;
	s18 =	simm.s32 $0x6148;
	s19 =	simm.s32 $0x1  }
0x18: {  	[tilespmem:s18], [sflag:$0x2] =	stream.indirect.gather [spmem:s2], $0x80, s17, s15, $0xb8;
	[tilespmem:$0xA148] =	vst v63  }
0x19: {  	_ =	swait.ge [sflag:s19], $0x4000  }
0x1a: {  	s21 =	sshll.u32 s21, $0x4;
	[sflag:s19] =	ssyncset.done $0x0  }
0x1b: {  	s20 =	sadd.s32 s20, s21;
	s21 =	simm.s32 $0x3;
	[sflag:s19] =	ssyncadd.s32 $0xFFFFC000  }
0x1c: {  	[hbm4b:s20+s3] =	stream.linear.scatter [tilespmem:s16], [sflag:$0x3], $0x4000, $0x38;
	[tilespmem:$0xA148] =	vst v63  }
0x1d: {  	_ =	swait.ge [sflag:s21], $0x4000  }
0x1e: {  	[sflag:s21] =	ssyncset.done $0x0  }
0x1f: {  	s22 =	simm.s32 $0x2048;
	s23 =	simm.s32 $0x2;
	[sflag:s21] =	ssyncadd.s32 $0xFFFFC000  }
0x20: {  	[tilespmem:s16], [sflag:$0x1] =	stream.indirect.gather [spmem:s2], $0x80, s22, s15, $0xb8;
	[tilespmem:$0xA148] =	vst v63  }
0x21: {  	_ =	swait.ge [sflag:s23], $0x4000  }
0x22: {  	[sflag:s23] =	ssyncset.done $0x0  }
0x23: {  	s25 =	simm.s32 $0x4;
	s24 =	sadd.s32 $0x800, s20;
	[sflag:s23] =	ssyncadd.s32 $0xFFFFC000  }
0x24: {  	[hbm4b:s24+s3] =	stream.linear.scatter [tilespmem:s18], [sflag:$0x4], $0x4000, $0x38;
	[tilespmem:$0xA148] =	vst v63  }
0x25: {  	_ =	swait.ge [sflag:s25], $0x4000  }
0x26: {  	[sflag:s25] =	ssyncset.done $0x0  }
0x27: {  	s26 =	simm.s32 $0x20C8;
	[sflag:s25] =	ssyncadd.s32 $0xFFFFC000  }
0x28: {  	[tilespmem:s18], [sflag:$0x2] =	stream.indirect.gather [spmem:s2], $0x80, s26, s15, $0xb8;
	[tilespmem:$0xA148] =	vst v63  }
0x29: {  	s30 =	ssub.s32 $0x2, s29;
	_ =	swait.ge [sflag:s19], $0x4000  }
0x2a: {  	s31 =	sshrl.u32 s30, $0x1;
	[sflag:s19] =	ssyncset.done $0x0  }
0x2b: {  	s30 =	ssub.s32 s30, s31;
	s28 =	sadd.s32 $0x1000, s20;
	[sflag:s19] =	ssyncadd.s32 $0xFFFFC000  }
0x2c: {  	[hbm4b:s28+s3] =	stream.linear.scatter [tilespmem:s16], [sflag:$0x3], $0x4000, $0x38;
	[tilespmem:$0xA148] =	vst v63  }
0x2d: {  	s30 =	smax.u32 s30, $0x1;
	_ =	swait.ge [sflag:s23], $0x4000  }
0x2e: {  	s30 =	sadd.s32 $0xFFFFFFFF, s30;
	[sflag:s23] =	ssyncset.done $0x0  }
0x2f: {  	s29 =	sadd.s32 $0x1800, s20;
	p1 =	sne.s32 s30, $0x0;
	[sflag:s23] =	ssyncadd.s32 $0xFFFFC000  }
0x30: {  	[hbm4b:s29+s3] =	stream.linear.scatter [tilespmem:s18], [sflag:$0x4], $0x4000, $0x38;
	[tilespmem:$0xA148] =	vst v63  }
.Ltmp0:
0x31: {  	_ =	swait.ge [sflag:s21], $0x4000;
	(pc) =	sbr.rel @!p1 .LBB2_2-.Ltmp0, $4  }
0x32: {  	[sflag:s21] =	ssyncset.done $0x0  }
0x33: {  	[sflag:s21] =	ssyncadd.s32 $0xFFFFC000  }
0x34: {  	_ =	swait.ge [sflag:s25], $0x4000  }
0x35: {  	[sflag:s25] =	ssyncset.done $0x0  }
.LBB2_1:
0x36: {  	s30 =	sadd.s32 $0xFFFFFFFF, s30;
	[sflag:s25] =	ssyncadd.s32 $0xFFFFC000  }
0x37: {  	[tilespmem:s5], [sflag:$0x5] =	stream.linear.gather [hbm4b:s4+s3], $0x200, $0x38;
	[tilespmem:$0xA148] =	vst v63  }
0x38: {  	p1 =	sne.s32 s30, $0x0;
	_ =	swait.ge [sflag:s6], $0x200  }
0x39: {  	[sflag:s6] =	ssyncset.done $0x0  }
0x3a: {  	[sflag:s6] =	ssyncadd.s32 $0xFFFFFE00  }
0x3b: {  	[spmem:s8], [sflag:s9] =	dma.local @p0 [hbm:s7], $0x290  }
0x3c: {  	_ =	swait.ge @p0 [sflag:s10], $0x290  }
0x3d: {  	[sflag:s10] =	ssyncset.done @p0 $0x0  }
0x3e: {  	[sflag:s10] =	ssyncadd.s32 @p0 $0xFFFFFD70  }
0x3f: {  	[spmem:s13], [sflag:s12] =	dma.local @!p0 [hbm:s11], $0x400  }
0x40: {  	_ =	swait.ge @!p0 [sflag:s14], $0x400  }
0x41: {  	[sflag:s14] =	ssyncset.done @!p0 $0x0  }
0x42: {  	[sflag:s14] =	ssyncadd.s32 @!p0 $0xFFFFFC00  }
0x43: {  	[bflag:$0x0] =	sbarrier.arrive $0xFFFF  }
0x44: {  	[tilespmem:s16], [sflag:$0x1] =	stream.indirect.gather [spmem:s2], $0x80, s5, s15, $0xb8;
	[tilespmem:$0xA148] =	vst v63  }
0x45: {  	_ = 	snop  }
0x46: {  	[tilespmem:s18], [sflag:$0x2] =	stream.indirect.gather [spmem:s2], $0x80, s17, s15, $0xb8;
	[tilespmem:$0xA148] =	vst v63  }
0x47: {  	_ =	swait.ge [sflag:s19], $0x4000  }
0x48: {  	[sflag:s19] =	ssyncset.done $0x0  }
0x49: {  	[sflag:s19] =	ssyncadd.s32 $0xFFFFC000  }
0x4a: {  	[hbm4b:s20+s3] =	stream.linear.scatter [tilespmem:s16], [sflag:$0x3], $0x4000, $0x38;
	[tilespmem:$0xA148] =	vst v63  }
0x4b: {  	_ =	swait.ge [sflag:s21], $0x4000  }
0x4c: {  	[sflag:s21] =	ssyncset.done $0x0  }
0x4d: {  	[sflag:s21] =	ssyncadd.s32 $0xFFFFC000  }
0x4e: {  	[tilespmem:s16], [sflag:$0x1] =	stream.indirect.gather [spmem:s2], $0x80, s22, s15, $0xb8;
	[tilespmem:$0xA148] =	vst v63  }
0x4f: {  	_ =	swait.ge [sflag:s23], $0x4000  }
0x50: {  	[sflag:s23] =	ssyncset.done $0x0  }
0x51: {  	[sflag:s23] =	ssyncadd.s32 $0xFFFFC000  }
0x52: {  	[hbm4b:s24+s3] =	stream.linear.scatter [tilespmem:s18], [sflag:$0x4], $0x4000, $0x38;
	[tilespmem:$0xA148] =	vst v63  }
0x53: {  	_ =	swait.ge [sflag:s25], $0x4000  }
0x54: {  	[sflag:s25] =	ssyncset.done $0x0  }
0x55: {  	[sflag:s25] =	ssyncadd.s32 $0xFFFFC000  }
0x56: {  	[tilespmem:s18], [sflag:$0x2] =	stream.indirect.gather [spmem:s2], $0x80, s26, s15, $0xb8;
	[tilespmem:$0xA148] =	vst v63  }
0x57: {  	_ =	swait.ge [sflag:s19], $0x4000  }
0x58: {  	[sflag:s19] =	ssyncset.done $0x0  }
0x59: {  	[sflag:s19] =	ssyncadd.s32 $0xFFFFC000  }
0x5a: {  	[hbm4b:s28+s3] =	stream.linear.scatter [tilespmem:s16], [sflag:$0x3], $0x4000, $0x38;
	[tilespmem:$0xA148] =	vst v63  }
0x5b: {  	_ =	swait.ge [sflag:s23], $0x4000  }
0x5c: {  	[sflag:s23] =	ssyncset.done $0x0  }
0x5d: {  	[sflag:s23] =	ssyncadd.s32 $0xFFFFC000  }
0x5e: {  	[hbm4b:s29+s3] =	stream.linear.scatter [tilespmem:s18], [sflag:$0x4], $0x4000, $0x38;
	[tilespmem:$0xA148] =	vst v63  }
.Ltmp1:
0x5f: {  	_ =	swait.ge [sflag:s21], $0x4000;
	(pc) =	sbr.rel @p1 .LBB2_1-.Ltmp1, $4  }
0x60: {  	[sflag:s21] =	ssyncset.done $0x0  }
0x61: {  	[sflag:s21] =	ssyncadd.s32 $0xFFFFC000  }
0x62: {  	_ =	swait.ge [sflag:s25], $0x4000  }
0x63: {  	[sflag:s25] =	ssyncset.done $0x0  }
.LBB2_2:
0x64: {  	[sflag:s25] =	ssyncadd.s32 $0xFFFFC000  }
0x65: {  	_ =	sfence.sel $0x180000  }
0x66: {  	[bflag:$0x0] =	sbarrier.arrive $0xFFFF  }
0x67: {  	p0 =	sne.s32 s0, $0x0;
	_ =	strace $0x90000047  }
0x68: {  	s0 =	sadd.s32 @!p0 $0x100000, s1;
	[bflag:$0x2] =	sbarrier.arrive $0xFFFF  }
0x69: {  	[sflag:s0] =	ssyncadd.tile.s32 @!p0 $0x1;
	_ =	shalt  }
.Lfunc_end2:
_tile_overlayer_lowered:
.L_overlay_start_2:
0x6a: {  	(tag) =	ssettag $0x2  }
0x6b: {  	s0 =	rddreg [dreg:$0x0];
	s2 =	stileid.u32  }
0x6c: {  	s1 =	rddreg [dreg:$0x1];
	p0 =	sne.s32 s2, $0x0  }
0x6d: {  	s3 =	rddreg [dreg:$0x2];
	[bflag:$0x3] =	sbarrier.arrive $0xFFFF;
	s2 =	simm.s32 @!p0 $0x1C05  }
0x6e: {  	[timem:s3], [sflag:s2] =	dma.local @!p0 [hbm:s0], s1  }
0x6f: {  	s0 =	simm.s32 @!p0 $0x5  }
0x70: {  	_ =	swait.ge @!p0 [sflag:s0], s1  }
0x71: {  	s1 =	ssub.s32 @!p0 $0x0, s1;
	[sflag:s0] =	ssyncset.done @!p0 $0x0  }
0x72: {  	[sflag:s0] =	ssyncadd.s32 @!p0 s1  }
0x73: {  	[bflag:$0x3] =	sbarrier.arrive $0xFFFF  }
0x74: {  	_ =	shalt  }

</sc_bundles>
